<compile_context>
chip_gen: v7x
topology: tpu7x:2x2x1
jax: 0.10.2.dev20260603
libtpu: 0.0.44.dev20260713+nightly
codegen_flags: <defaults>
</compile_context>

<pallas_src>
import jax
import jax.numpy as jnp
from jax.experimental import pallas as pl

_N = 50000
_G = 16
_C = 8
_NUM_FEAT = 123
_NUM_CFG_FEAT = 18
_NUM_OPS = 125
_DIM = 128

_BLOCK = 2000


def _fused_kernel(code_ref, bidx_ref, opf_ref, cfg_ref, opw_ref, cfgw_ref,
                  emb_ref, wopT_ref, bop_ref, wcfgT_ref, bcfg_ref, out_ref):
    code = code_ref[:, :]
    oh_op = (code == jax.lax.broadcasted_iota(jnp.int32, (1, _NUM_OPS), 1)
             ).astype(jnp.float32)
    row = jnp.dot(oh_op, emb_ref[:, :], preferred_element_type=jnp.float32)
    sq = jnp.sum(row * row, axis=1, keepdims=True)
    scale = jnp.where(sq > 1.0, jax.lax.rsqrt(sq), 1.0)
    op_emb = opw_ref[0, 0] * (row * scale)

    x = (jnp.dot(opf_ref[:, :], wopT_ref[:, :],
                 preferred_element_type=jnp.float32)
         + bop_ref[0, :][None, :] + op_emb)

    oh_g = (bidx_ref[:, :] == jax.lax.broadcasted_iota(jnp.int32, (1, _G), 1)
            ).astype(jnp.float32)
    scaled_cfg = cfg_ref[:, :, :] * cfgw_ref[0, :][None, None, :]
    for c in range(_C):
        cfg_c = (jnp.dot(scaled_cfg[:, c, :], wcfgT_ref[:, :],
                         preferred_element_type=jnp.float32)
                 + bcfg_ref[0, :][None, :])
        out_ref[:, c * _DIM:(c + 1) * _DIM] = x + jnp.dot(
            oh_g, cfg_c, preferred_element_type=jnp.float32)


def kernel(op_code, op_feats, config_feats, batch_idx, op_weights,
           config_weights, emb_table, W_op, b_op, W_cfg, b_cfg):
    n = op_feats.shape[0]
    code2 = op_code.reshape(n, 1).astype(jnp.int32)
    bidx2 = batch_idx.reshape(n, 1).astype(jnp.int32)
    cfgw2 = config_weights.reshape(1, _NUM_CFG_FEAT)
    bop2 = b_op.reshape(1, _DIM)
    bcfg2 = b_cfg.reshape(1, _DIM)
    wopT = W_op.T
    wcfgT = W_cfg.T

    nb = n // _BLOCK
    grid = (nb,)

    def row_block(shape_tail):
        return pl.BlockSpec((_BLOCK,) + shape_tail,
                            lambda i: (i,) + (0,) * len(shape_tail))

    def whole(shape):
        return pl.BlockSpec(shape, lambda i: (0,) * len(shape))

    out = pl.pallas_call(
        _fused_kernel,
        grid=grid,
        in_specs=[
            row_block((1,)),
            row_block((1,)),
            row_block((_NUM_FEAT,)),
            whole((_G, _C, _NUM_CFG_FEAT)),
            whole((1, 1)),
            whole((1, _NUM_CFG_FEAT)),
            whole((_NUM_OPS, _DIM)),
            whole((_NUM_FEAT, _DIM)),
            whole((1, _DIM)),
            whole((_NUM_CFG_FEAT, _DIM)),
            whole((1, _DIM)),
        ],
        out_specs=pl.BlockSpec((_BLOCK, _C * _DIM), lambda i: (i, 0)),
        out_shape=jax.ShapeDtypeStruct((n, _C * _DIM), jnp.float32),
    )(code2, bidx2, op_feats, config_feats, op_weights, cfgw2,
      emb_table, wopT, bop2, wcfgT, bcfg2)
    return out.reshape(n, _C, _DIM)

# --- scband reference (transcript-rebuilt; emitter-appended) ---
"""Pipeline reference for scband-tpugraph-encoder-34772055229058 (READ-ONLY COPY).

The authoritative reference and input builder live on the scoring server;
editing this copy changes nothing except your own understanding.
"""

import jax, jax.numpy as jnp
import numpy as np

N = 50000
G = 16
C = 8
NUM_FEAT = 123
NUM_CFG_FEAT = 18
NUM_OPS = 125
DIM = 128
INIT = 100.0


def setup_inputs(seed: int = 0) -> dict:
    key = jax.random.key(seed)
    ks = jax.random.split(key, 8)
    op_code = jax.random.randint(ks[0], (N,), 0, NUM_OPS)
    op_feats = jax.random.normal(ks[1], (N, NUM_FEAT), dtype=jnp.float32)
    config_feats = jax.random.normal(ks[2], (G, C, NUM_CFG_FEAT), dtype=jnp.float32)
    batch_idx = jnp.sort(jax.random.randint(ks[3], (N,), 0, G))
    op_weights = jnp.full((1, 1), INIT, dtype=jnp.float32)
    config_weights = jnp.full((1, 1, NUM_CFG_FEAT), INIT, dtype=jnp.float32)
    emb_table = jax.random.normal(ks[4], (NUM_OPS, DIM), dtype=jnp.float32)
    W_op = jax.random.normal(ks[5], (DIM, NUM_FEAT), dtype=jnp.float32) / np.sqrt(NUM_FEAT)
    b_op = jnp.zeros((DIM,), dtype=jnp.float32)
    W_cfg = jax.random.normal(ks[6], (DIM, NUM_CFG_FEAT), dtype=jnp.float32) / np.sqrt(NUM_CFG_FEAT)
    b_cfg = jnp.zeros((DIM,), dtype=jnp.float32)
    return {
        'op_code': op_code,
        'op_feats': op_feats,
        'config_feats': config_feats,
        'batch_idx': batch_idx,
        'op_weights': op_weights,
        'config_weights': config_weights,
        'emb_table': emb_table,
        'W_op': W_op,
        'b_op': b_op,
        'W_cfg': W_cfg,
        'b_cfg': b_cfg,
    }


def reference(op_code, op_feats, config_feats, batch_idx, op_weights, config_weights, emb_table, W_op, b_op, W_cfg, b_cfg):
    # nn.Embedding(num_ops, dim_in, max_norm=True): lookup with renorm of rows whose
    # L2 norm exceeds 1.0 (torch interprets max_norm=True as max_norm=1.0).
    row = jnp.take(emb_table, op_code, axis=0)  # [N, DIM] gather
    norm = jnp.linalg.norm(row, axis=-1, keepdims=True)
    row = row * jnp.where(norm > 1.0, 1.0 / jnp.maximum(norm, 1e-12), 1.0)
    op_emb = op_weights * row  # [1,1] broadcast scale
    # op_feats_lin
    x = op_feats @ W_op.T + b_op + op_emb  # [N, DIM]
    # config_feats_lin on per-graph config features scaled by config_weights
    cfg = (config_weights * config_feats) @ W_cfg.T + b_cfg  # [G, C, DIM]
    # broadcast node features over configs, gather per-node graph configs by batch vector
    cfg_per_node = jnp.take(cfg, batch_idx, axis=0)  # [N, C, DIM] gather
    x = x[:, None, :] + cfg_per_node  # [N, C, DIM]
    return x

if __name__ == "__main__":
    import jax
    _d = setup_inputs()
    print(jax.jit(kernel)(*tuple(_d.values())))

</pallas_src>

<mosaic_0001>
module attributes {stable_mosaic.version = 14 : i64} {
  func.func @_fused_kernel(%arg0: i32, %arg1: memref<2000x1xi32, #tpu.memory_space<vmem>>, %arg2: memref<2000x1xi32, #tpu.memory_space<vmem>>, %arg3: memref<2000x123xf32, #tpu.memory_space<vmem>>, %arg4: memref<16x8x18xf32, #tpu.memory_space<vmem>>, %arg5: memref<1x1xf32, #tpu.memory_space<vmem>>, %arg6: memref<1x18xf32, #tpu.memory_space<vmem>>, %arg7: memref<125x128xf32, #tpu.memory_space<vmem>>, %arg8: memref<123x128xf32, #tpu.memory_space<vmem>>, %arg9: memref<1x128xf32, #tpu.memory_space<vmem>>, %arg10: memref<18x128xf32, #tpu.memory_space<vmem>>, %arg11: memref<1x128xf32, #tpu.memory_space<vmem>>, %arg12: memref<2000x1024xf32, #tpu.memory_space<vmem>>) attributes {dimension_semantics = [#tpu.dimension_semantics<arbitrary>], iteration_bounds = array<i64: 25>, scalar_prefetch = 0 : i64, scratch_operands = 0 : i64, tpu.core_type = #tpu.core_type<tc>, window_params = [{transform_indices = @transform_0, window_bounds = array<i64: 2000, 1>}, {transform_indices = @transform_1, window_bounds = array<i64: 2000, 1>}, {transform_indices = @transform_2, window_bounds = array<i64: 2000, 123>}, {pipeline_mode = #tpu.pipeline_mode<synchronous>, transform_indices = @transform_3, window_bounds = array<i64: 16, 8, 18>}, {pipeline_mode = #tpu.pipeline_mode<synchronous>, transform_indices = @transform_4, window_bounds = array<i64: 1, 1>}, {pipeline_mode = #tpu.pipeline_mode<synchronous>, transform_indices = @transform_5, window_bounds = array<i64: 1, 18>}, {pipeline_mode = #tpu.pipeline_mode<synchronous>, transform_indices = @transform_6, window_bounds = array<i64: 125, 128>}, {pipeline_mode = #tpu.pipeline_mode<synchronous>, transform_indices = @transform_7, window_bounds = array<i64: 123, 128>}, {pipeline_mode = #tpu.pipeline_mode<synchronous>, transform_indices = @transform_8, window_bounds = array<i64: 1, 128>}, {pipeline_mode = #tpu.pipeline_mode<synchronous>, transform_indices = @transform_9, window_bounds = array<i64: 18, 128>}, {pipeline_mode = #tpu.pipeline_mode<synchronous>, transform_indices = @transform_10, window_bounds = array<i64: 1, 128>}, {transform_indices = @transform_11, window_bounds = array<i64: 2000, 1024>}]} {
    %get3A = arith.constant 0 : index
    %get3A_0 = arith.constant 0 : index
    %get3A_1 = vector.load %arg1[%get3A, %get3A_0] : memref<2000x1xi32, #tpu.memory_space<vmem>>, vector<2000x1xi32>
    %iota3A = tpu.iota {dimensions = array<i32: 1>} : vector<1x125xi32>
    %eq3A = vector.broadcast %get3A_1 : vector<2000x1xi32> to vector<2000x125xi32>
    %eq3A_2 = vector.broadcast %iota3A : vector<1x125xi32> to vector<2000x125xi32>
    %eq3A_3 = arith.cmpi eq, %eq3A, %eq3A_2 : vector<2000x125xi32>
    %convert_element_type3A = arith.extui %eq3A_3 : vector<2000x125xi1> to vector<2000x125xi32>
    %convert_element_type3A_4 = arith.sitofp %convert_element_type3A : vector<2000x125xi32> to vector<2000x125xf32>
    %get3A_5 = arith.constant 0 : index
    %get3A_6 = arith.constant 0 : index
    %get3A_7 = vector.load %arg7[%get3A_5, %get3A_6] : memref<125x128xf32, #tpu.memory_space<vmem>>, vector<125x128xf32>
    %dot_general3A = arith.constant dense<0.000000e+00> : vector<2000x128xf32>
    %dot_general3A_8 = tpu.matmul %convert_element_type3A_4, %get3A_7, %dot_general3A {dimension_numbers = #tpu.dot_dimension_numbers<[1], [0], [0], [1], [0, 0, 1, 1], [], []>, transpose_lhs_hint = false} : vector<2000x125xf32>, vector<125x128xf32>, vector<2000x128xf32> -> vector<2000x128xf32>
    %mul3A = arith.mulf %dot_general3A_8, %dot_general3A_8 : vector<2000x128xf32>
    %reduce_sum3A = arith.constant dense<0.000000e+00> : vector<2000xf32>
    %reduce_sum3A_9 = vector.multi_reduction <add>, %mul3A, %reduce_sum3A [1] : vector<2000x128xf32> to vector<2000xf32>
    %broadcast_in_dim3A = vector.shape_cast %reduce_sum3A_9 : vector<2000xf32> to vector<2000x1xf32>
    %gt3A = arith.constant 1.000000e+00 : f32
    %gt3A_10 = vector.broadcast %gt3A : f32 to vector<2000x1xf32>
    %gt3A_11 = arith.cmpf ogt, %broadcast_in_dim3A, %gt3A_10 : vector<2000x1xf32>
    %rsqrt3A = math.rsqrt %broadcast_in_dim3A : vector<2000x1xf32>
    %jit3A = arith.constant 1.000000e+00 : f32
    %broadcast_in_dim3A_12 = vector.broadcast %jit3A : f32 to vector<2000x1xf32>
    %select_n3A = arith.select %gt3A_11, %rsqrt3A, %broadcast_in_dim3A_12 : vector<2000x1xi1>, vector<2000x1xf32>
    %get3A_13 = arith.constant 0 : index
    %get3A_14 = arith.constant 0 : index
    %get3A_15 = vector.load %arg5[%get3A_13, %get3A_14] : memref<1x1xf32, #tpu.memory_space<vmem>>, vector<1x1xf32>
    %get3A_16 = vector.extract %get3A_15[0, 0] : f32 from vector<1x1xf32>
    %mul3A_17 = vector.broadcast %select_n3A : vector<2000x1xf32> to vector<2000x128xf32>
    %mul3A_18 = arith.mulf %dot_general3A_8, %mul3A_17 : vector<2000x128xf32>
    %mul3A_19 = vector.broadcast %get3A_16 : f32 to vector<2000x128xf32>
    %mul3A_20 = arith.mulf %mul3A_19, %mul3A_18 : vector<2000x128xf32>
    %get3A_21 = arith.constant 0 : index
    %get3A_22 = arith.constant 0 : index
    %get3A_23 = vector.load %arg3[%get3A_21, %get3A_22] : memref<2000x123xf32, #tpu.memory_space<vmem>>, vector<2000x123xf32>
    %get3A_24 = arith.constant 0 : index
    %get3A_25 = arith.constant 0 : index
    %get3A_26 = vector.load %arg8[%get3A_24, %get3A_25] : memref<123x128xf32, #tpu.memory_space<vmem>>, vector<123x128xf32>
    %dot_general3A_27 = arith.constant dense<0.000000e+00> : vector<2000x128xf32>
    %dot_general3A_28 = tpu.matmul %get3A_23, %get3A_26, %dot_general3A_27 {dimension_numbers = #tpu.dot_dimension_numbers<[1], [0], [0], [1], [0, 0, 1, 1], [], []>, transpose_lhs_hint = false} : vector<2000x123xf32>, vector<123x128xf32>, vector<2000x128xf32> -> vector<2000x128xf32>
    %get3A_29 = arith.constant 0 : index
    %get3A_30 = arith.constant 0 : index
    %get3A_31 = vector.load %arg9[%get3A_29, %get3A_30] : memref<1x128xf32, #tpu.memory_space<vmem>>, vector<1x128xf32>
    %get3A_32 = vector.shape_cast %get3A_31 : vector<1x128xf32> to vector<128xf32>
    %broadcast_in_dim3A_33 = vector.shape_cast %get3A_32 : vector<128xf32> to vector<1x128xf32>
    %add3A = vector.broadcast %broadcast_in_dim3A_33 : vector<1x128xf32> to vector<2000x128xf32>
    %add3A_34 = arith.addf %dot_general3A_28, %add3A : vector<2000x128xf32>
    %add3A_35 = arith.addf %add3A_34, %mul3A_20 : vector<2000x128xf32>
    %get3A_36 = arith.constant 0 : index
    %get3A_37 = arith.constant 0 : index
    %get3A_38 = vector.load %arg2[%get3A_36, %get3A_37] : memref<2000x1xi32, #tpu.memory_space<vmem>>, vector<2000x1xi32>
    %iota3A_39 = tpu.iota {dimensions = array<i32: 1>} : vector<1x16xi32>
    %eq3A_40 = vector.broadcast %get3A_38 : vector<2000x1xi32> to vector<2000x16xi32>
    %eq3A_41 = vector.broadcast %iota3A_39 : vector<1x16xi32> to vector<2000x16xi32>
    %eq3A_42 = arith.cmpi eq, %eq3A_40, %eq3A_41 : vector<2000x16xi32>
    %convert_element_type3A_43 = arith.extui %eq3A_42 : vector<2000x16xi1> to vector<2000x16xi32>
    %convert_element_type3A_44 = arith.sitofp %convert_element_type3A_43 : vector<2000x16xi32> to vector<2000x16xf32>
    %get3A_45 = arith.constant 0 : index
    %get3A_46 = arith.constant 0 : index
    %get3A_47 = arith.constant 0 : index
    %get3A_48 = vector.load %arg4[%get3A_45, %get3A_46, %get3A_47] : memref<16x8x18xf32, #tpu.memory_space<vmem>>, vector<16x8x18xf32>
    %get3A_49 = arith.constant 0 : index
    %get3A_50 = arith.constant 0 : index
    %get3A_51 = vector.load %arg6[%get3A_49, %get3A_50] : memref<1x18xf32, #tpu.memory_space<vmem>>, vector<1x18xf32>
    %get3A_52 = vector.shape_cast %get3A_51 : vector<1x18xf32> to vector<18xf32>
    %broadcast_in_dim3A_53 = vector.shape_cast %get3A_52 : vector<18xf32> to vector<1x1x18xf32>
    %mul3A_54 = vector.broadcast %broadcast_in_dim3A_53 : vector<1x1x18xf32> to vector<16x8x18xf32>
    %mul3A_55 = arith.mulf %get3A_48, %mul3A_54 : vector<16x8x18xf32>
    %slice3A = vector.extract_strided_slice %mul3A_55 {offsets = [0, 0, 0], sizes = [16, 1, 18], strides = [1, 1, 1]} : vector<16x8x18xf32> to vector<16x1x18xf32>
    %squeeze3A = vector.shape_cast %slice3A : vector<16x1x18xf32> to vector<16x18xf32>
    %get3A_56 = arith.constant 0 : index
    %get3A_57 = arith.constant 0 : index
    %get3A_58 = vector.load %arg10[%get3A_56, %get3A_57] : memref<18x128xf32, #tpu.memory_space<vmem>>, vector<18x128xf32>
    %dot_general3A_59 = arith.constant dense<0.000000e+00> : vector<16x128xf32>
    %dot_general3A_60 = tpu.matmul %squeeze3A, %get3A_58, %dot_general3A_59 {dimension_numbers = #tpu.dot_dimension_numbers<[1], [0], [0], [1], [0, 0, 1, 1], [], []>, transpose_lhs_hint = false} : vector<16x18xf32>, vector<18x128xf32>, vector<16x128xf32> -> vector<16x128xf32>
    %get3A_61 = arith.constant 0 : index
    %get3A_62 = arith.constant 0 : index
    %get3A_63 = vector.load %arg11[%get3A_61, %get3A_62] : memref<1x128xf32, #tpu.memory_space<vmem>>, vector<1x128xf32>
    %get3A_64 = vector.shape_cast %get3A_63 : vector<1x128xf32> to vector<128xf32>
    %broadcast_in_dim3A_65 = vector.shape_cast %get3A_64 : vector<128xf32> to vector<1x128xf32>
    %add3A_66 = vector.broadcast %broadcast_in_dim3A_65 : vector<1x128xf32> to vector<16x128xf32>
    %add3A_67 = arith.addf %dot_general3A_60, %add3A_66 : vector<16x128xf32>
    %dot_general3A_68 = arith.constant dense<0.000000e+00> : vector<2000x128xf32>
    %dot_general3A_69 = tpu.matmul %convert_element_type3A_44, %add3A_67, %dot_general3A_68 {dimension_numbers = #tpu.dot_dimension_numbers<[1], [0], [0], [1], [0, 0, 1, 1], [], []>, transpose_lhs_hint = false} : vector<2000x16xf32>, vector<16x128xf32>, vector<2000x128xf32> -> vector<2000x128xf32>
    %add3A_70 = arith.addf %add3A_35, %dot_general3A_69 : vector<2000x128xf32>
    %swap3A = arith.constant 0 : index
    %swap3A_71 = arith.constant 0 : index
    %swap3A_72 = vector.load %arg12[%swap3A, %swap3A_71] : memref<2000x1024xf32, #tpu.memory_space<vmem>>, vector<2000x128xf32>
    tpu.vector_store %arg12[%swap3A, %swap3A_71], %add3A_70 {strides = array<i32>} : memref<2000x1024xf32, #tpu.memory_space<vmem>>, vector<2000x128xf32>,
    %slice3A_73 = vector.extract_strided_slice %mul3A_55 {offsets = [0, 1, 0], sizes = [16, 1, 18], strides = [1, 1, 1]} : vector<16x8x18xf32> to vector<16x1x18xf32>
    %squeeze3A_74 = vector.shape_cast %slice3A_73 : vector<16x1x18xf32> to vector<16x18xf32>
    %get3A_75 = arith.constant 0 : index
    %get3A_76 = arith.constant 0 : index
    %get3A_77 = vector.load %arg10[%get3A_75, %get3A_76] : memref<18x128xf32, #tpu.memory_space<vmem>>, vector<18x128xf32>
    %dot_general3A_78 = arith.constant dense<0.000000e+00> : vector<16x128xf32>
    %dot_general3A_79 = tpu.matmul %squeeze3A_74, %get3A_77, %dot_general3A_78 {dimension_numbers = #tpu.dot_dimension_numbers<[1], [0], [0], [1], [0, 0, 1, 1], [], []>, transpose_lhs_hint = false} : vector<16x18xf32>, vector<18x128xf32>, vector<16x128xf32> -> vector<16x128xf32>
    %get3A_80 = arith.constant 0 : index
    %get3A_81 = arith.constant 0 : index
    %get3A_82 = vector.load %arg11[%get3A_80, %get3A_81] : memref<1x128xf32, #tpu.memory_space<vmem>>, vector<1x128xf32>
    %get3A_83 = vector.shape_cast %get3A_82 : vector<1x128xf32> to vector<128xf32>
    %broadcast_in_dim3A_84 = vector.shape_cast %get3A_83 : vector<128xf32> to vector<1x128xf32>
    %add3A_85 = vector.broadcast %broadcast_in_dim3A_84 : vector<1x128xf32> to vector<16x128xf32>
    %add3A_86 = arith.addf %dot_general3A_79, %add3A_85 : vector<16x128xf32>
    %dot_general3A_87 = arith.constant dense<0.000000e+00> : vector<2000x128xf32>
    %dot_general3A_88 = tpu.matmul %convert_element_type3A_44, %add3A_86, %dot_general3A_87 {dimension_numbers = #tpu.dot_dimension_numbers<[1], [0], [0], [1], [0, 0, 1, 1], [], []>, transpose_lhs_hint = false} : vector<2000x16xf32>, vector<16x128xf32>, vector<2000x128xf32> -> vector<2000x128xf32>
    %add3A_89 = arith.addf %add3A_35, %dot_general3A_88 : vector<2000x128xf32>
    %swap3A_90 = arith.constant 0 : index
    %swap3A_91 = arith.constant 128 : index
    %swap3A_92 = vector.load %arg12[%swap3A_90, %swap3A_91] : memref<2000x1024xf32, #tpu.memory_space<vmem>>, vector<2000x128xf32>
    tpu.vector_store %arg12[%swap3A_90, %swap3A_91], %add3A_89 {strides = array<i32>} : memref<2000x1024xf32, #tpu.memory_space<vmem>>, vector<2000x128xf32>,
    %slice3A_93 = vector.extract_strided_slice %mul3A_55 {offsets = [0, 2, 0], sizes = [16, 1, 18], strides = [1, 1, 1]} : vector<16x8x18xf32> to vector<16x1x18xf32>
    %squeeze3A_94 = vector.shape_cast %slice3A_93 : vector<16x1x18xf32> to vector<16x18xf32>
    %get3A_95 = arith.constant 0 : index
    %get3A_96 = arith.constant 0 : index
    %get3A_97 = vector.load %arg10[%get3A_95, %get3A_96] : memref<18x128xf32, #tpu.memory_space<vmem>>, vector<18x128xf32>
    %dot_general3A_98 = arith.constant dense<0.000000e+00> : vector<16x128xf32>
    %dot_general3A_99 = tpu.matmul %squeeze3A_94, %get3A_97, %dot_general3A_98 {dimension_numbers = #tpu.dot_dimension_numbers<[1], [0], [0], [1], [0, 0, 1, 1], [], []>, transpose_lhs_hint = false} : vector<16x18xf32>, vector<18x128xf32>, vector<16x128xf32> -> vector<16x128xf32>
    %get3A_100 = arith.constant 0 : index
    %get3A_101 = arith.constant 0 : index
    %get3A_102 = vector.load %arg11[%get3A_100, %get3A_101] : memref<1x128xf32, #tpu.memory_space<vmem>>, vector<1x128xf32>
    %get3A_103 = vector.shape_cast %get3A_102 : vector<1x128xf32> to vector<128xf32>
    %broadcast_in_dim3A_104 = vector.shape_cast %get3A_103 : vector<128xf32> to vector<1x128xf32>
    %add3A_105 = vector.broadcast %broadcast_in_dim3A_104 : vector<1x128xf32> to vector<16x128xf32>
    %add3A_106 = arith.addf %dot_general3A_99, %add3A_105 : vector<16x128xf32>
    %dot_general3A_107 = arith.constant dense<0.000000e+00> : vector<2000x128xf32>
    %dot_general3A_108 = tpu.matmul %convert_element_type3A_44, %add3A_106, %dot_general3A_107 {dimension_numbers = #tpu.dot_dimension_numbers<[1], [0], [0], [1], [0, 0, 1, 1], [], []>, transpose_lhs_hint = false} : vector<2000x16xf32>, vector<16x128xf32>, vector<2000x128xf32> -> vector<2000x128xf32>
    %add3A_109 = arith.addf %add3A_35, %dot_general3A_108 : vector<2000x128xf32>
    %swap3A_110 = arith.constant 0 : index
    %swap3A_111 = arith.constant 256 : index
    %swap3A_112 = vector.load %arg12[%swap3A_110, %swap3A_111] : memref<2000x1024xf32, #tpu.memory_space<vmem>>, vector<2000x128xf32>
    tpu.vector_store %arg12[%swap3A_110, %swap3A_111], %add3A_109 {strides = array<i32>} : memref<2000x1024xf32, #tpu.memory_space<vmem>>, vector<2000x128xf32>,
    %slice3A_113 = vector.extract_strided_slice %mul3A_55 {offsets = [0, 3, 0], sizes = [16, 1, 18], strides = [1, 1, 1]} : vector<16x8x18xf32> to vector<16x1x18xf32>
    %squeeze3A_114 = vector.shape_cast %slice3A_113 : vector<16x1x18xf32> to vector<16x18xf32>
    %get3A_115 = arith.constant 0 : index
    %get3A_116 = arith.constant 0 : index
    %get3A_117 = vector.load %arg10[%get3A_115, %get3A_116] : memref<18x128xf32, #tpu.memory_space<vmem>>, vector<18x128xf32>
    %dot_general3A_118 = arith.constant dense<0.000000e+00> : vector<16x128xf32>
    %dot_general3A_119 = tpu.matmul %squeeze3A_114, %get3A_117, %dot_general3A_118 {dimension_numbers = #tpu.dot_dimension_numbers<[1], [0], [0], [1], [0, 0, 1, 1], [], []>, transpose_lhs_hint = false} : vector<16x18xf32>, vector<18x128xf32>, vector<16x128xf32> -> vector<16x128xf32>
    %get3A_120 = arith.constant 0 : index
    %get3A_121 = arith.constant 0 : index
    %get3A_122 = vector.load %arg11[%get3A_120, %get3A_121] : memref<1x128xf32, #tpu.memory_space<vmem>>, vector<1x128xf32>
    %get3A_123 = vector.shape_cast %get3A_122 : vector<1x128xf32> to vector<128xf32>
    %broadcast_in_dim3A_124 = vector.shape_cast %get3A_123 : vector<128xf32> to vector<1x128xf32>
    %add3A_125 = vector.broadcast %broadcast_in_dim3A_124 : vector<1x128xf32> to vector<16x128xf32>
    %add3A_126 = arith.addf %dot_general3A_119, %add3A_125 : vector<16x128xf32>
    %dot_general3A_127 = arith.constant dense<0.000000e+00> : vector<2000x128xf32>
    %dot_general3A_128 = tpu.matmul %convert_element_type3A_44, %add3A_126, %dot_general3A_127 {dimension_numbers = #tpu.dot_dimension_numbers<[1], [0], [0], [1], [0, 0, 1, 1], [], []>, transpose_lhs_hint = false} : vector<2000x16xf32>, vector<16x128xf32>, vector<2000x128xf32> -> vector<2000x128xf32>
    %add3A_129 = arith.addf %add3A_35, %dot_general3A_128 : vector<2000x128xf32>
    %swap3A_130 = arith.constant 0 : index
    %swap3A_131 = arith.constant 384 : index
    %swap3A_132 = vector.load %arg12[%swap3A_130, %swap3A_131] : memref<2000x1024xf32, #tpu.memory_space<vmem>>, vector<2000x128xf32>
    tpu.vector_store %arg12[%swap3A_130, %swap3A_131], %add3A_129 {strides = array<i32>} : memref<2000x1024xf32, #tpu.memory_space<vmem>>, vector<2000x128xf32>,
    %slice3A_133 = vector.extract_strided_slice %mul3A_55 {offsets = [0, 4, 0], sizes = [16, 1, 18], strides = [1, 1, 1]} : vector<16x8x18xf32> to vector<16x1x18xf32>
    %squeeze3A_134 = vector.shape_cast %slice3A_133 : vector<16x1x18xf32> to vector<16x18xf32>
    %get3A_135 = arith.constant 0 : index
    %get3A_136 = arith.constant 0 : index
    %get3A_137 = vector.load %arg10[%get3A_135, %get3A_136] : memref<18x128xf32, #tpu.memory_space<vmem>>, vector<18x128xf32>
    %dot_general3A_138 = arith.constant dense<0.000000e+00> : vector<16x128xf32>
    %dot_general3A_139 = tpu.matmul %squeeze3A_134, %get3A_137, %dot_general3A_138 {dimension_numbers = #tpu.dot_dimension_numbers<[1], [0], [0], [1], [0, 0, 1, 1], [], []>, transpose_lhs_hint = false} : vector<16x18xf32>, vector<18x128xf32>, vector<16x128xf32> -> vector<16x128xf32>
    %get3A_140 = arith.constant 0 : index
    %get3A_141 = arith.constant 0 : index
    %get3A_142 = vector.load %arg11[%get3A_140, %get3A_141] : memref<1x128xf32, #tpu.memory_space<vmem>>, vector<1x128xf32>
    %get3A_143 = vector.shape_cast %get3A_142 : vector<1x128xf32> to vector<128xf32>
    %broadcast_in_dim3A_144 = vector.shape_cast %get3A_143 : vector<128xf32> to vector<1x128xf32>
    %add3A_145 = vector.broadcast %broadcast_in_dim3A_144 : vector<1x128xf32> to vector<16x128xf32>
    %add3A_146 = arith.addf %dot_general3A_139, %add3A_145 : vector<16x128xf32>
    %dot_general3A_147 = arith.constant dense<0.000000e+00> : vector<2000x128xf32>
    %dot_general3A_148 = tpu.matmul %convert_element_type3A_44, %add3A_146, %dot_general3A_147 {dimension_numbers = #tpu.dot_dimension_numbers<[1], [0], [0], [1], [0, 0, 1, 1], [], []>, transpose_lhs_hint = false} : vector<2000x16xf32>, vector<16x128xf32>, vector<2000x128xf32> -> vector<2000x128xf32>
    %add3A_149 = arith.addf %add3A_35, %dot_general3A_148 : vector<2000x128xf32>
    %swap3A_150 = arith.constant 0 : index
    %swap3A_151 = arith.constant 512 : index
    %swap3A_152 = vector.load %arg12[%swap3A_150, %swap3A_151] : memref<2000x1024xf32, #tpu.memory_space<vmem>>, vector<2000x128xf32>
    tpu.vector_store %arg12[%swap3A_150, %swap3A_151], %add3A_149 {strides = array<i32>} : memref<2000x1024xf32, #tpu.memory_space<vmem>>, vector<2000x128xf32>,
    %slice3A_153 = vector.extract_strided_slice %mul3A_55 {offsets = [0, 5, 0], sizes = [16, 1, 18], strides = [1, 1, 1]} : vector<16x8x18xf32> to vector<16x1x18xf32>
    %squeeze3A_154 = vector.shape_cast %slice3A_153 : vector<16x1x18xf32> to vector<16x18xf32>
    %get3A_155 = arith.constant 0 : index
    %get3A_156 = arith.constant 0 : index
    %get3A_157 = vector.load %arg10[%get3A_155, %get3A_156] : memref<18x128xf32, #tpu.memory_space<vmem>>, vector<18x128xf32>
    %dot_general3A_158 = arith.constant dense<0.000000e+00> : vector<16x128xf32>
    %dot_general3A_159 = tpu.matmul %squeeze3A_154, %get3A_157, %dot_general3A_158 {dimension_numbers = #tpu.dot_dimension_numbers<[1], [0], [0], [1], [0, 0, 1, 1], [], []>, transpose_lhs_hint = false} : vector<16x18xf32>, vector<18x128xf32>, vector<16x128xf32> -> vector<16x128xf32>
    %get3A_160 = arith.constant 0 : index
    %get3A_161 = arith.constant 0 : index
    %get3A_162 = vector.load %arg11[%get3A_160, %get3A_161] : memref<1x128xf32, #tpu.memory_space<vmem>>, vector<1x128xf32>
    %get3A_163 = vector.shape_cast %get3A_162 : vector<1x128xf32> to vector<128xf32>
    %broadcast_in_dim3A_164 = vector.shape_cast %get3A_163 : vector<128xf32> to vector<1x128xf32>
    %add3A_165 = vector.broadcast %broadcast_in_dim3A_164 : vector<1x128xf32> to vector<16x128xf32>
    %add3A_166 = arith.addf %dot_general3A_159, %add3A_165 : vector<16x128xf32>
    %dot_general3A_167 = arith.constant dense<0.000000e+00> : vector<2000x128xf32>
    %dot_general3A_168 = tpu.matmul %convert_element_type3A_44, %add3A_166, %dot_general3A_167 {dimension_numbers = #tpu.dot_dimension_numbers<[1], [0], [0], [1], [0, 0, 1, 1], [], []>, transpose_lhs_hint = false} : vector<2000x16xf32>, vector<16x128xf32>, vector<2000x128xf32> -> vector<2000x128xf32>
    %add3A_169 = arith.addf %add3A_35, %dot_general3A_168 : vector<2000x128xf32>
    %swap3A_170 = arith.constant 0 : index
    %swap3A_171 = arith.constant 640 : index
    %swap3A_172 = vector.load %arg12[%swap3A_170, %swap3A_171] : memref<2000x1024xf32, #tpu.memory_space<vmem>>, vector<2000x128xf32>
    tpu.vector_store %arg12[%swap3A_170, %swap3A_171], %add3A_169 {strides = array<i32>} : memref<2000x1024xf32, #tpu.memory_space<vmem>>, vector<2000x128xf32>,
    %slice3A_173 = vector.extract_strided_slice %mul3A_55 {offsets = [0, 6, 0], sizes = [16, 1, 18], strides = [1, 1, 1]} : vector<16x8x18xf32> to vector<16x1x18xf32>
    %squeeze3A_174 = vector.shape_cast %slice3A_173 : vector<16x1x18xf32> to vector<16x18xf32>
    %get3A_175 = arith.constant 0 : index
    %get3A_176 = arith.constant 0 : index
    %get3A_177 = vector.load %arg10[%get3A_175, %get3A_176] : memref<18x128xf32, #tpu.memory_space<vmem>>, vector<18x128xf32>
    %dot_general3A_178 = arith.constant dense<0.000000e+00> : vector<16x128xf32>
    %dot_general3A_179 = tpu.matmul %squeeze3A_174, %get3A_177, %dot_general3A_178 {dimension_numbers = #tpu.dot_dimension_numbers<[1], [0], [0], [1], [0, 0, 1, 1], [], []>, transpose_lhs_hint = false} : vector<16x18xf32>, vector<18x128xf32>, vector<16x128xf32> -> vector<16x128xf32>
    %get3A_180 = arith.constant 0 : index
    %get3A_181 = arith.constant 0 : index
    %get3A_182 = vector.load %arg11[%get3A_180, %get3A_181] : memref<1x128xf32, #tpu.memory_space<vmem>>, vector<1x128xf32>
    %get3A_183 = vector.shape_cast %get3A_182 : vector<1x128xf32> to vector<128xf32>
    %broadcast_in_dim3A_184 = vector.shape_cast %get3A_183 : vector<128xf32> to vector<1x128xf32>
    %add3A_185 = vector.broadcast %broadcast_in_dim3A_184 : vector<1x128xf32> to vector<16x128xf32>
    %add3A_186 = arith.addf %dot_general3A_179, %add3A_185 : vector<16x128xf32>
    %dot_general3A_187 = arith.constant dense<0.000000e+00> : vector<2000x128xf32>
    %dot_general3A_188 = tpu.matmul %convert_element_type3A_44, %add3A_186, %dot_general3A_187 {dimension_numbers = #tpu.dot_dimension_numbers<[1], [0], [0], [1], [0, 0, 1, 1], [], []>, transpose_lhs_hint = false} : vector<2000x16xf32>, vector<16x128xf32>, vector<2000x128xf32> -> vector<2000x128xf32>
    %add3A_189 = arith.addf %add3A_35, %dot_general3A_188 : vector<2000x128xf32>
    %swap3A_190 = arith.constant 0 : index
    %swap3A_191 = arith.constant 768 : index
    %swap3A_192 = vector.load %arg12[%swap3A_190, %swap3A_191] : memref<2000x1024xf32, #tpu.memory_space<vmem>>, vector<2000x128xf32>
    tpu.vector_store %arg12[%swap3A_190, %swap3A_191], %add3A_189 {strides = array<i32>} : memref<2000x1024xf32, #tpu.memory_space<vmem>>, vector<2000x128xf32>,
    %slice3A_193 = vector.extract_strided_slice %mul3A_55 {offsets = [0, 7, 0], sizes = [16, 1, 18], strides = [1, 1, 1]} : vector<16x8x18xf32> to vector<16x1x18xf32>
    %squeeze3A_194 = vector.shape_cast %slice3A_193 : vector<16x1x18xf32> to vector<16x18xf32>
    %get3A_195 = arith.constant 0 : index
    %get3A_196 = arith.constant 0 : index
    %get3A_197 = vector.load %arg10[%get3A_195, %get3A_196] : memref<18x128xf32, #tpu.memory_space<vmem>>, vector<18x128xf32>
    %dot_general3A_198 = arith.constant dense<0.000000e+00> : vector<16x128xf32>
    %dot_general3A_199 = tpu.matmul %squeeze3A_194, %get3A_197, %dot_general3A_198 {dimension_numbers = #tpu.dot_dimension_numbers<[1], [0], [0], [1], [0, 0, 1, 1], [], []>, transpose_lhs_hint = false} : vector<16x18xf32>, vector<18x128xf32>, vector<16x128xf32> -> vector<16x128xf32>
    %get3A_200 = arith.constant 0 : index
    %get3A_201 = arith.constant 0 : index
    %get3A_202 = vector.load %arg11[%get3A_200, %get3A_201] : memref<1x128xf32, #tpu.memory_space<vmem>>, vector<1x128xf32>
    %get3A_203 = vector.shape_cast %get3A_202 : vector<1x128xf32> to vector<128xf32>
    %broadcast_in_dim3A_204 = vector.shape_cast %get3A_203 : vector<128xf32> to vector<1x128xf32>
    %add3A_205 = vector.broadcast %broadcast_in_dim3A_204 : vector<1x128xf32> to vector<16x128xf32>
    %add3A_206 = arith.addf %dot_general3A_199, %add3A_205 : vector<16x128xf32>
    %dot_general3A_207 = arith.constant dense<0.000000e+00> : vector<2000x128xf32>
    %dot_general3A_208 = tpu.matmul %convert_element_type3A_44, %add3A_206, %dot_general3A_207 {dimension_numbers = #tpu.dot_dimension_numbers<[1], [0], [0], [1], [0, 0, 1, 1], [], []>, transpose_lhs_hint = false} : vector<2000x16xf32>, vector<16x128xf32>, vector<2000x128xf32> -> vector<2000x128xf32>
    %add3A_209 = arith.addf %add3A_35, %dot_general3A_208 : vector<2000x128xf32>
    %swap3A_210 = arith.constant 0 : index
    %swap3A_211 = arith.constant 896 : index
    %swap3A_212 = vector.load %arg12[%swap3A_210, %swap3A_211] : memref<2000x1024xf32, #tpu.memory_space<vmem>>, vector<2000x128xf32>
    tpu.vector_store %arg12[%swap3A_210, %swap3A_211], %add3A_209 {strides = array<i32>} : memref<2000x1024xf32, #tpu.memory_space<vmem>>, vector<2000x128xf32>,
    return
  }
  func.func @transform_0(%arg0: i32) -> (i32, i32) {
    %c0_i32 = arith.constant 0 : i32
    %c0_i32_0 = arith.constant 0 : i32
    return %arg0, %c0_i32 : i32, i32
  }
  func.func @transform_1(%arg0: i32) -> (i32, i32) {
    %c0_i32 = arith.constant 0 : i32
    %c0_i32_0 = arith.constant 0 : i32
    return %arg0, %c0_i32 : i32, i32
  }
  func.func @transform_2(%arg0: i32) -> (i32, i32) {
    %c0_i32 = arith.constant 0 : i32
    %c0_i32_0 = arith.constant 0 : i32
    return %arg0, %c0_i32 : i32, i32
  }
  func.func @transform_3(%arg0: i32) -> (i32, i32, i32) {
    %c0_i32 = arith.constant 0 : i32
    %c0_i32_0 = arith.constant 0 : i32
    %c0_i32_1 = arith.constant 0 : i32
    %c0_i32_2 = arith.constant 0 : i32
    return %c0_i32, %c0_i32_0, %c0_i32_1 : i32, i32, i32
  }
  func.func @transform_4(%arg0: i32) -> (i32, i32) {
    %c0_i32 = arith.constant 0 : i32
    %c0_i32_0 = arith.constant 0 : i32
    %c0_i32_1 = arith.constant 0 : i32
    return %c0_i32, %c0_i32_0 : i32, i32
  }
  func.func @transform_5(%arg0: i32) -> (i32, i32) {
    %c0_i32 = arith.constant 0 : i32
    %c0_i32_0 = arith.constant 0 : i32
    %c0_i32_1 = arith.constant 0 : i32
    return %c0_i32, %c0_i32_0 : i32, i32
  }
  func.func @transform_6(%arg0: i32) -> (i32, i32) {
    %c0_i32 = arith.constant 0 : i32
    %c0_i32_0 = arith.constant 0 : i32
    %c0_i32_1 = arith.constant 0 : i32
    return %c0_i32, %c0_i32_0 : i32, i32
  }
  func.func @transform_7(%arg0: i32) -> (i32, i32) {
    %c0_i32 = arith.constant 0 : i32
    %c0_i32_0 = arith.constant 0 : i32
    %c0_i32_1 = arith.constant 0 : i32
    return %c0_i32, %c0_i32_0 : i32, i32
  }
  func.func @transform_8(%arg0: i32) -> (i32, i32) {
    %c0_i32 = arith.constant 0 : i32
    %c0_i32_0 = arith.constant 0 : i32
    %c0_i32_1 = arith.constant 0 : i32
    return %c0_i32, %c0_i32_0 : i32, i32
  }
  func.func @transform_9(%arg0: i32) -> (i32, i32) {
    %c0_i32 = arith.constant 0 : i32
    %c0_i32_0 = arith.constant 0 : i32
    %c0_i32_1 = arith.constant 0 : i32
    return %c0_i32, %c0_i32_0 : i32, i32
  }
  func.func @transform_10(%arg0: i32) -> (i32, i32) {
    %c0_i32 = arith.constant 0 : i32
    %c0_i32_0 = arith.constant 0 : i32
    %c0_i32_1 = arith.constant 0 : i32
    return %c0_i32, %c0_i32_0 : i32, i32
  }
  func.func @transform_11(%arg0: i32) -> (i32, i32) {
    %c0_i32 = arith.constant 0 : i32
    %c0_i32_0 = arith.constant 0 : i32
    return %arg0, %c0_i32 : i32, i32
  }
}

</mosaic_0001>

<sc_bundles>
// kernel: sparse-core-data-format-call.cloned.1.call-start
scs
called_computation_lowered:
.L_overlay_start_0:
0x0: {  	s2 =	sld [smem:$0x3FD9]  }
0x1: {  	s3 =	sld [smem:$0x3FFE];
	_ =	sdelay $0x1  }
0x2: {  	s1 =	srdreg.scid  }
0x3: {  	s0 =	sand.u32 $0x1, s1  }
0x4: {  	s18 =	sshll.u32 s0, $0xA;
	s2 =	sadd.s32 s3, s2  }
0x5: {  	s2 =	sadd.s32 s2, s18  }
0x6: {  	[smem:$0x3FBD] =	sst s2  }
0x7: {  	_ = 	snop  }
0x8: {  	s2 =	sld [smem:$0x3FD0];
	(tm) =	ssettm $0x1  }
0x9: {  	s19 =	sld [smem:$0x3FFB];
	_ =	sdelay $0x3  }
0xa: {  	_ =	strace s19  }
0xb: {  	s3 =	sld [smem:$0x3FFC];
	_ =	sdelay $0x3  }
0xc: {  	_ =	strace s3  }
0xd: {  	s3 =	sld [smem:$0x3FFD];
	_ =	sdelay $0x3  }
0xe: {  	_ =	strace s3  }
0xf: {  	_ =	strace $0x8FFFFFFF  }
0x10: {  	s20 =	sld [smem:$0x3FDB];
	_ =	sdelay $0x1  }
0x11: {  	s4 =	simm.s32 $_scs_section_size  }
0x12: {  	s5 =	simm.s32 $_size__tile_overlayer_lowered;
	s6 =	simm.s32 $_tile_overlayer_lowered  }
0x13: {  	s23 =	simm.s32 $0x1BFF;
	s22 =	sshll.u32 s6, $0x1;
	s3 =	sadd.s32 s4, s20  }
0x14: {  	s7 =	simm.s32 $0x0;
	s21 =	sshll.u32 s5, $0x1;
	s5 =	sadd.s32 s22, s3  }
0x15: {  	[timem:s7], [sflag:s23] =	dma.local [hbm:s5], s21  }
0x16: {  	_ =	swait.ge [sflag:s23], s21  }
0x17: {  	s4 =	ssub.s32 $0x0, s21;
	[sflag:s23] =	ssyncset.done $0x0  }
0x18: {  	[sflag:s23] =	ssyncadd.s32 s4;
	_ =	sdelay $0x1  }
0x19: {  	s24 =	simm.s32 $0x1B8B  }
0x1a: {  	_ =	swait.ge [sflag:s24], $0x1  }
0x1b: {  	[sflag:s24] =	ssyncset.done $0x0  }
0x1c: {  	s26 =	simm.s32 $0x1B8E;
	s25 =	sld [smem:$0x3FFE];
	[sflag:s24] =	ssyncadd.s32 $0xFFFFFFFF  }
0x1d: {  	s27 =	simm.s32 $execute0_lowered;
	[smem:$0x3FD2] =	sst s26  }
0x1e: {  	s5 =	sshll.u32 s27, $0x1;
	_ =	strace $0x80000046;
	[dreg:$0x1] =	wrdreg $0xFFFFFFFF  }
0x1f: {  	s28 =	simm.s32 $_size_execute0_lowered;
	s3 =	sadd.s32 s3, s5;
	[dreg:$0x0] =	wrdreg $0x0  }
0x20: {  	s5 =	sshll.u32 s28, $0x1;
	[dreg:$0x2] =	wrdreg s3  }
0x21: {  	[dreg:$0x3] =	wrdreg s5  }
0x22: {  	[dreg:$0x4] =	wrdreg $0xC0  }
0x23: {  	_ =	task [dreg:s7], $0x5FFFF  }
0x24: {  	[dreg:$0x1] =	wrdreg $0xFFFFFFFF  }
0x25: {  	[dreg:$0x0] =	wrdreg $0x60  }
0x26: {  	[dreg:$0x2] =	wrdreg s25  }
0x27: {  	[dreg:$0x3] =	wrdreg s2  }
0x28: {  	[dreg:$0x4] =	wrdreg $0x9  }
0x29: {  	_ =	task.clear_ibuf [dreg:s7], $0x5FFFF;
	_ =	strace $0x90000046  }
0x2a: {  	s29 =	simm.s32 $0x9;
	_ =	strace $0x80000048  }
0x2b: {  	_ =	swait.ge [sflag:s29], $0x1  }
0x2c: {  	[sflag:s29] =	ssyncadd.s32 $0xFFFFFFFF  }
0x2d: {  	_ =	strace $0x90000048  }
0x2e: {  	_ =	sfence  }
0x2f: {  	s30 =	sld [smem:$0x0];
	_ =	sdelay $0x2  }
0x30: {  	s31 =	sshll.u32 s1, $0xD;
	s1 =	sshrl.u32 s1, $0x2  }
0x31: {  	s3 =	sand.u32 $0x4000, s31;
	s1 =	sadd.s32 s1, s30  }
0x32: {  	s0 =	sor.u32 s3, s0;
	s1 =	sshll.u32 s1, $0x11  }
0x33: {  	s0 =	sor.u32 s1, s0  }
0x34: {  	s0 =	sadd.s32 $0x8F2B, s0  }
0x35: {  	[sflag:s0] =	ssyncadd.remote.s32 $0x1  }
0x36: {  	_ =	sfence.sel $0xFFFF  }
0x37: {  	[dreg:$0x0] =	wrdreg $0xFFFFFFFF;
	(pc) =	sbr.abs _section_cstart, $3  }
0x38: {  	[dreg:$0x1] =	wrdreg $0xFFFFFFFF  }
0x39: {  	_ =	task.clear_ibuf [dreg:s7], $0x2FFFF;
	_ =	strace $0x9FFFFFFF  }
0x3a: {  	(tm) =	ssettm $0x7FFFFFFF  }
0x3b: {  	_ =	shalt  }
tec
execute0_lowered:
.L_overlay_start_1:
0x0: {  	(tag) =	ssettag $0x1  }
0x1: {  	s0 =	srdreg.scid  }
0x2: {  	s1 =	sshll.u32 s0, $0x4  }
0x3: {  	s4 =	rddreg [dreg:$0x0];
	s0 =	stileid.u32;
	s1 =	sand.u32 $0x10, s1  }
0x4: {  	s2 =	rddreg [dreg:$0x1];
	s7 =	simm.s32 $0x1;
	s1 =	sor.u32 s0, s1  }
0x5: {  	s8 =	simm.s32 $0x2;
	s9 =	simm.s32 $0x0;
	s3 =	sshll.u32 s1, $0x1  }
0x6: {  	s12 =	simm.s32 $0x0;
	s11 =	simm.s32 $0x0;
	s6 =	ssub.s32 $0x186A, s3  }
.Ltmp0:
0x7: {  	s4 =	sadd.s32 $0xC4800, s4;
	s5 =	sand.u32 $0x3E, s6;
	(pc) =	sbr.rel .LBB1_1-.Ltmp0, $4  }
0x8: {  	s1 =	rddreg [dreg:$0x2];
	_ =	strace $0x80000047;
	p0 =	sne.s32 s5, $0x0  }
0x9: {  	s6 =	sshrl.u32 s6, $0x6;
	s5 =	simm.s32 $0x1;
	s7 =	simm.s32 @!p0 $0x0  }
0xa: {  	s10 =	smov.u32 s3;
	[sflag:s5] =	ssyncpa.u1 $0x0;
	s6 =	sadd.s32 s7, s6  }
0xb: {  	[sflag:s8] =	ssyncpa.u1 $0x0;
	s8 =	simm.s32 $0x0;
	s7 =	sadd.s32 $0x1, s6  }
.LBB1_9:
0xc: {  	s14 =	sadd.s32 $0x40, s10  }
0xd: {  	p1 =	sgt.s32 s14, $0x1869  }
0xe: {  	s14 =	smov.u32 @p1 s3;
	p1 =	sne.s32 s11, s7  }
.Ltmp1:
0xf: {  	p0 =	slt.u32 s11, $0x2;
	(pc) =	sbr.rel @!p1 .LBB1_10-.Ltmp1, $4  }
0x10: {  	s13 =	simm.s32 @!p0 $0x2  }
0x11: {  	s15 =	sadd.s32 $0x1, s11;
	_ =	swait.ge @!p0 [sflag:s13], $0x4000  }
0x12: {  	s12 =	smov.u32 s10;
	s9 =	sadd.s32 $0x4000, s9;
	[sflag:s13] =	ssyncset.done @!p0 $0x0  }
0x13: {  	s11 =	smov.u32 s15;
	s10 =	smov.u32 s14;
	[sflag:s13] =	ssyncadd.s32 @!p0 $0xFFFFC000  }
.LBB1_1:
0x14: {  	p0 =	sge.u32 s11, s6  }
0x15: {  	s13 =	sxor.u32 @!p0 $0xFFFFFFFF, s11  }
0x16: {  	s31 =	sadd.s32 $0xFFFFFFFF, s11;
	s14 =	sshll.u32 @!p0 s10, $0xA;
	s13 =	sshll.u32 @!p0 s13, $0xE  }
0x17: {  	s15 =	simm.s32 @!p0 $0x0;
	s14 =	sadd.s32 @!p0 s4, s14;
	s13 =	sand.u32 @!p0 $0x4000, s13  }
0x18: {  	[tilespmem:s13], [sflag:$0x1] =	stream.linear.gather @!p0 [hbm4b:s14+s15], $0x4000, $0x38;
	[tilespmem:$0x10000] =	vst v63  }
0x19: {  	p0 =	sge.u32 s31, s6  }
.Ltmp2:
0x1a: {  	_ = 	snop;
	(pc) =	sbr.rel @p0 .LBB1_9-.Ltmp2, $1  }
0x1b: {  	_ =	sdelay $0x3  }
0x1c: {  	s13 =	sshll.u32 s9, $0x2  }
0x1d: {  	_ =	swait.ge [sflag:s5], $0x4000;
	s14 =	sshll.u32 s11, $0xE;
	s16 =	simm.s32 $0x0  }
0x1e: {  	p1 =	por $0x1, $0x1;
	s13 =	sand.u32 $0x10000, s13;
	[sflag:s5] =	ssyncset.done $0x0  }
0x1f: {  	s14 =	sand.u32 $0x4000, s14;
	s15 =	sshrl.u32 s13, $0x2;
	[sflag:s5] =	ssyncadd.s32 $0xFFFFC000  }
0x20: {  	s13 =	sor.u32 $0x8000, s14;
	s14 =	sadd.s32 $0x8040, s15;
	s15 =	sadd.s32 $0x40, s15  }
.LBB1_3:
0x21: {  	s16 =	sshll.u32 s16, $0x2  }
0x22: {  	p0 =	por p1, p1;
	s17 =	sshra.s32 s16, $0x2  }
0x23: {  	s18 =	simm.s32 $0x0;
	s16 =	sadd.s32 s17, s14;
	s17 =	sadd.s32 s17, s15  }
.LBB1_4:
0x24: {  	v0 =	vmov s17;
	_ =	sdelay $0x3  }
0x25: {  	s20 =	simm.s32 $0x0  }
0x26: {  	v6 =	vld.idx.msk [tilespmem:v0+s20+$0x30 ss:$0x1], $0xffff  }
0x27: {  	v7 =	vld.idx.msk [tilespmem:v0+s20+$0xFFFFFFC0 ss:$0x1], $0xffff  }
0x28: {  	v5 =	vld.idx.msk [tilespmem:v0+s20+$0xFFFFFFD0 ss:$0x1], $0xffff  }
0x29: {  	v4 =	vld.idx.msk [tilespmem:v0+s20+$0xFFFFFFE0 ss:$0x1], $0xffff  }
0x2a: {  	v3 =	vld.idx.msk [tilespmem:v0+s20+$0xFFFFFFF0 ss:$0x1], $0xffff  }
0x2b: {  	v1 =	vld.idx.msk [tilespmem:v0+s20+$0x0 ss:$0x1], $0xffff  }
0x2c: {  	v2 =	vld.idx.msk [tilespmem:v0+s20+$0x10 ss:$0x1], $0xffff;
	[tilespmem:s16+$0x30] =	vst v6  }
0x2d: {  	s19 =	simm.s32 $0x80;
	s21 =	simm.s32 $0x400;
	[tilespmem:s16+$0xFFFFFFC0] =	vst v7;
	v6 =	vld.idx.msk [tilespmem:v0+s20+$0x20 ss:$0x1], $0xffff;
	s20 =	smov.u32 s16  }
.LBB1_5:
0x2e: {  	p1 =	sne.s32 s21, $0xE00;
	v7 =	vld.idx.msk [tilespmem:v0+s19+$0x30 ss:$0x1], $0xffff;
	[tilespmem:s20+$0xFFFFFFD0] =	vst v5  }
0x2f: {  	v8 =	vld.idx.msk [tilespmem:v0+s19+$0xFFFFFFC0 ss:$0x1], $0xffff;
	[tilespmem:s20+$0xFFFFFFE0] =	vst v4  }
0x30: {  	v5 =	vld.idx.msk [tilespmem:v0+s19+$0xFFFFFFD0 ss:$0x1], $0xffff;
	[tilespmem:s20+$0xFFFFFFF0] =	vst v3  }
.Ltmp3:
0x31: {  	v4 =	vld.idx.msk [tilespmem:v0+s19+$0xFFFFFFE0 ss:$0x1], $0xffff;
	[tilespmem:s20+$0x0] =	vst v1;
	(pc) =	sbr.rel @p1 .LBB1_5-.Ltmp3, $4  }
0x32: {  	v3 =	vld.idx.msk [tilespmem:v0+s19+$0xFFFFFFF0 ss:$0x1], $0xffff;
	[tilespmem:s20+$0x10] =	vst v2  }
0x33: {  	v1 =	vld.idx.msk [tilespmem:v0+s19+$0x0 ss:$0x1], $0xffff;
	[tilespmem:s20+$0x20] =	vst v6;
	s20 =	sadd.s32 $0x400, s20  }
0x34: {  	v2 =	vld.idx.msk [tilespmem:v0+s19+$0x10 ss:$0x1], $0xffff;
	[tilespmem:s20+$0x30] =	vst v7  }
0x35: {  	[tilespmem:s20+$0xFFFFFFC0] =	vst v8;
	v6 =	vld.idx.msk [tilespmem:v0+s19+$0x20 ss:$0x1], $0xffff;
	s19 =	sshra.s32 s21, $0x2;
	s21 =	sadd.s32 $0x200, s21  }
0x36: {  	_ =	sdelay $0x2  }
0x37: {  	[tilespmem:s20+$0xFFFFFFD0] =	vst v5  }
0x38: {  	v56 =	vld.idx.msk [tilespmem:v0+s19+$0x30 ss:$0x1], $0xffff;
	[tilespmem:s20+$0xFFFFFFE0] =	vst v4  }
0x39: {  	v57 =	vld.idx.msk [tilespmem:v0+s19+$0xFFFFFFC0 ss:$0x1], $0xffff;
	[tilespmem:s20+$0xFFFFFFF0] =	vst v3  }
0x3a: {  	v58 =	vld.idx.msk [tilespmem:v0+s19+$0xFFFFFFD0 ss:$0x1], $0xffff;
	[tilespmem:s20+$0x0] =	vst v1  }
0x3b: {  	v59 =	vld.idx.msk [tilespmem:v0+s19+$0xFFFFFFE0 ss:$0x1], $0xffff;
	[tilespmem:s20+$0x10] =	vst v2  }
0x3c: {  	v60 =	vld.idx.msk [tilespmem:v0+s19+$0xFFFFFFF0 ss:$0x1], $0xffff;
	s31 =	sadd.s32 $0x400, s20;
	[tilespmem:s20+$0x20] =	vst v6  }
0x3d: {  	v61 =	vld.idx.msk [tilespmem:v0+s19+$0x0 ss:$0x1], $0xffff;
	[tilespmem:s31+$0x30] =	vst v56  }
0x3e: {  	v62 =	vld.idx.msk [tilespmem:v0+s19+$0x10 ss:$0x1], $0xffff;
	s18 =	sadd.s32 $0x1, s18;
	[tilespmem:s31+$0xFFFFFFC0] =	vst v57  }
0x3f: {  	v63 =	vld.idx.msk [tilespmem:v0+s19+$0x20 ss:$0x1], $0xffff;
	p1 =	sne.s32 s18, $0x8;
	[tilespmem:s31+$0xFFFFFFD0] =	vst v58  }
.Ltmp4:
0x40: {  	[tilespmem:s31+$0xFFFFFFE0] =	vst v59;
	(pc) =	sbr.rel @p1 .LBB1_4-.Ltmp4, $4  }
0x41: {  	[tilespmem:s31+$0xFFFFFFF0] =	vst v60  }
0x42: {  	[tilespmem:s31+$0x0] =	vst v61  }
0x43: {  	[tilespmem:s31+$0x10] =	vst v62  }
0x44: {  	s16 =	sadd.s32 $0x80, s16;
	s17 =	sadd.s32 $0x400, s17;
	[tilespmem:s31+$0x20] =	vst v63  }
.Ltmp5:
0x45: {  	(pc) =	sbr.rel @p0 .LBB1_3-.Ltmp5, $2  }
0x46: {  	_ =	sdelay $0x2  }
0x47: {  	s16 =	simm.s32 $0x2000;
	p1 =	por $0x0, $0x0  }
.Ltmp6:
0x48: {  	(pc) =	sbr.rel .LBB1_9-.Ltmp6, $4  }
0x49: {  	_ = 	snop  }
0x4a: {  	s12 =	sshll.u32 s12, $0xA  }
0x4b: {  	s12 =	sadd.s32 s2, s12  }
0x4c: {  	[hbm4b:s12+s8] =	stream.linear.scatter [tilespmem:s13], [sflag:$0x2], $0x4000, $0x38;
	[tilespmem:$0x10000] =	vst v63  }
.LBB1_10:
0x4d: {  	_ =	sfence.sel $0x180000  }
0x4e: {  	s2 =	simm.s32 $0x1;
	[bflag:$0x0] =	sbarrier.arrive $0xFFFF  }
0x4f: {  	s31 =	simm.s32 $0x2;
	[sflag:s2] =	ssyncpa.u1 $0x1  }
0x50: {  	[sflag:s31] =	ssyncpa.u1 $0x1  }
0x51: {  	p0 =	sne.s32 s0, $0x0;
	_ =	strace $0x90000047  }
0x52: {  	s0 =	sadd.s32 @!p0 $0x100000, s1;
	[bflag:$0x2] =	sbarrier.arrive $0xFFFF  }
0x53: {  	[sflag:s0] =	ssyncadd.tile.s32 @!p0 $0x1;
	_ =	shalt  }
.Lfunc_end1:
_tile_overlayer_lowered:
.L_overlay_start_2:
0x54: {  	(tag) =	ssettag $0x2  }
0x55: {  	s0 =	rddreg [dreg:$0x0];
	s2 =	stileid.u32  }
0x56: {  	s1 =	rddreg [dreg:$0x1];
	p0 =	sne.s32 s2, $0x0  }
0x57: {  	s3 =	rddreg [dreg:$0x2];
	[bflag:$0x3] =	sbarrier.arrive $0xFFFF;
	s2 =	simm.s32 @!p0 $0x1C01  }
0x58: {  	[timem:s3], [sflag:s2] =	dma.local @!p0 [hbm:s0], s1  }
0x59: {  	s0 =	simm.s32 @!p0 $0x1  }
0x5a: {  	_ =	swait.ge @!p0 [sflag:s0], s1  }
0x5b: {  	s1 =	ssub.s32 @!p0 $0x0, s1;
	[sflag:s0] =	ssyncset.done @!p0 $0x0  }
0x5c: {  	[sflag:s0] =	ssyncadd.s32 @!p0 s1  }
0x5d: {  	[bflag:$0x3] =	sbarrier.arrive $0xFFFF  }
0x5e: {  	_ =	shalt  }

</sc_bundles>
